<compile_context>
chip_gen: v7x
topology: tpu7x:2x2x1
jax: 0.10.2.dev20260603
libtpu: 0.0.44.dev20260713+nightly
codegen_flags: <defaults>
</compile_context>

<pallas_src>
import functools

import jax
import jax.numpy as jnp
from jax import lax
from jax.experimental import pallas as pl
from jax.experimental.pallas import tpu as pltpu
from jax.experimental.pallas import tpu_sc as plsc

_LANES = 16
_TILE = 128


def _histogram_sc(edge_index, n_nodes):
    info = plsc.get_sparse_core_info()
    nc, ns = info.num_cores, info.num_subcores
    nw = nc * ns
    e = edge_index.shape[1]
    assert e % _TILE == 0 and n_nodes % _LANES == 0
    n_tiles = e // _TILE
    nt_lo = n_tiles // nw
    n_hi = n_tiles - nt_lo * nw
    win = nt_lo + (1 if n_hi else 0)

    mesh = plsc.VectorSubcoreMesh(core_axis_name="c", subcore_axis_name="s")

    @functools.partial(
        pl.kernel,
        mesh=mesh,
        out_type=jax.ShapeDtypeStruct((nw, n_nodes), jnp.float32),
        scratch_types=[
            pltpu.VMEM((2, win * _TILE), jnp.int32),
            pltpu.VMEM((n_nodes,), jnp.float32),
            pltpu.SemaphoreType.DMA,
        ],
        compiler_params=pltpu.CompilerParams(needs_layout_passes=False),
    )
    def hist_kernel(ei_hbm, out_hbm, idx_v, hist_v, in_sem):
        wid = lax.axis_index("s") * nc + lax.axis_index("c")
        t0 = nt_lo * wid + lax.min(wid, n_hi)
        nt = nt_lo + jnp.where(wid < n_hi, 1, 0)
        start = lax.min(t0, n_tiles - win)
        off = t0 - start

        in_cp = pltpu.async_copy(
            ei_hbm.at[:, pl.ds(start * _TILE, win * _TILE)], idx_v, in_sem)

        zeros = jnp.zeros((_LANES,), jnp.float32)
        unroll = 25
        n_zero = n_nodes // _LANES

        def zero_body(i, carry):
            for j in range(unroll):
                hist_v[pl.ds((i * unroll + j) * _LANES, _LANES)] = zeros
            return carry

        lax.fori_loop(0, n_zero // unroll, zero_body, 0)
        in_cp.wait()

        ones = jnp.ones((_LANES,), jnp.float32)
        chunks_per_tile = _TILE // _LANES

        def scat_body(i, carry):
            base = (off + i) * _TILE
            idxs = [idx_v[1, pl.ds(base + j * _LANES, _LANES)]
                    for j in range(chunks_per_tile)]
            for idx in idxs:
                plsc.addupdate_scatter(hist_v, [idx], ones)
            return carry

        lax.fori_loop(0, nt, scat_body, 0)

        pltpu.sync_copy(hist_v, out_hbm.at[wid])

    return hist_kernel(edge_index)


def _fused_tc(partials, x, w, b2d, inv_e):
    n, c_in = x.shape
    c_out = w.shape[0]

    def body(p_ref, x_ref, w_ref, b_ref, out_ref):
        xv = x_ref[...]
        w1 = w_ref[:, :c_in]
        w2 = w_ref[:, c_in:]
        pm = lax.dot_general(p_ref[...], xv, (((1,), (0,)), ((), ())),
                             preferred_element_type=jnp.float32)
        m = jnp.sum(pm, axis=0, keepdims=True) * inv_e
        m8 = jnp.broadcast_to(m, (8, c_in))
        const8 = lax.dot_general(m8, w2, (((1,), (1,)), ((), ())),
                                 preferred_element_type=jnp.float32)
        const = const8[0:1, :] + b_ref[...]
        y = lax.dot_general(xv, w1, (((1,), (1,)), ((), ())),
                            preferred_element_type=jnp.float32)
        out_ref[...] = y + const

    return pl.pallas_call(
        body,
        out_shape=jax.ShapeDtypeStruct((n, c_out), jnp.float32),
    )(partials, x, w, b2d)


def kernel(x, edge_index, W, b):
    n, _ = x.shape
    e = edge_index.shape[1]
    partials = _histogram_sc(edge_index.astype(jnp.int32), n)
    return _fused_tc(partials, x, W, b.reshape(1, -1), 1.0 / e)

# --- scband reference (transcript-rebuilt; emitter-appended) ---
"""Pipeline reference for scband-sageconv-56573309223269 (READ-ONLY COPY).

The authoritative reference and input builder live on the scoring server;
editing this copy changes nothing except your own understanding.
"""

import jax, jax.numpy as jnp
import numpy as np

N = 10000
E = 320000
C_IN = 128
C_OUT = 128


def setup_inputs(seed: int = 0) -> dict:
    key = jax.random.key(seed)
    k1, k2, k3 = jax.random.split(key, 3)
    x = jax.random.normal(k1, (N, C_IN), dtype=jnp.float32)
    edge_index = jax.random.randint(k2, (2, E), 0, N, dtype=jnp.int64)
    # Linear(in_channels*2 -> out_channels) parameters, PyTorch-style init
    kW, kb = jax.random.split(k3)
    fan_in = C_IN * 2
    bound = 1.0 / np.sqrt(fan_in)
    W = jax.random.uniform(kW, (C_OUT, fan_in), minval=-bound, maxval=bound, dtype=jnp.float32)
    b = jax.random.uniform(kb, (C_OUT,), minval=-bound, maxval=bound, dtype=jnp.float32)
    return {"x": x, "edge_index": edge_index, "W": W, "b": b}


def reference(x, edge_index, W, b):
    # Faithful translation of the module's forward (aggr='mean'):
    # gather neighbor features by source column, reduce over ALL edges (dim=0),
    # broadcast-concatenate with x, apply linear layer.
    row, col = edge_index[0], edge_index[1]
    neighbors = x[col]                       # [E, C_IN] gather
    out = neighbors.mean(axis=0)             # [C_IN] (reduction over edge dim, as written)
    out = jnp.broadcast_to(out[None, :], x.shape)  # broadcast to [N, C_IN] for concat
    h = jnp.concatenate([x, out], axis=-1)   # [N, 2*C_IN]
    return h @ W.T + b                       # [N, C_OUT]

if __name__ == "__main__":
    import jax
    _d = setup_inputs()
    print(jax.jit(kernel)(*tuple(_d.values())))

</pallas_src>

<mosaic_0001>
#map = affine_map<(d0, d1) -> (0, 0)>
module attributes {stable_mosaic.version = 14 : i64} {
  func.func @hist_kernel(%arg0: i32, %arg1: i32, %arg2: memref<2x320000xi32, #tpu.memory_space<hbm>>, %arg3: memref<32x10000xf32, #tpu.memory_space<hbm>>, %arg4: memref<2x10112xi32, #tpu.memory_space<vmem>>, %arg5: memref<10000xf32, #tpu.memory_space<vmem>>, %arg6: memref<!tpu.dma_semaphore, #tpu.memory_space<semaphore_mem>>) attributes {dimension_semantics = [#tpu.dimension_semantics<core_parallel>, #tpu.dimension_semantics<subcore_parallel>], iteration_bounds = array<i64: 2, 16>, scalar_prefetch = 0 : i64, scratch_operands = 3 : i64, tpu.core_type = #tpu.core_type<sc_vector_subcore>, window_params = [{transform_indices = #map}, {transform_indices = #map}]} {
    %mul3A = arith.constant 2 : i32
    %mul3A_0 = arith.muli %arg1, %mul3A : i32
    %add3A = arith.addi %mul3A_0, %arg0 : i32
    %mul3A_1 = arith.constant 78 : i32
    %mul3A_2 = arith.muli %mul3A_1, %add3A : i32
    %min3A = arith.constant 4 : i32
    %min3A_3 = arith.minsi %add3A, %min3A : i32
    %add3A_4 = arith.addi %mul3A_2, %min3A_3 : i32
    %lt3A = arith.constant 4 : i32
    %lt3A_5 = arith.cmpi slt, %add3A, %lt3A : i32
    %jit3A = arith.constant 1 : i32
    %jit3A_6 = arith.constant 0 : i32
    %select_n3A = arith.select %lt3A_5, %jit3A, %jit3A_6 : i32
    %add3A_7 = arith.constant 78 : i32
    %add3A_8 = arith.addi %add3A_7, %select_n3A : i32
    %min3A_9 = arith.constant 2421 : i32
    %min3A_10 = arith.minsi %add3A_4, %min3A_9 : i32
    %sub3A = arith.subi %add3A_4, %min3A_10 : i32
    %mul3A_11 = arith.constant 128 : i32
    %mul3A_12 = arith.muli %min3A_10, %mul3A_11 : i32
    %dma_start3A = arith.constant 0 : i32
    %dma_start3A_13 = tpu.memref_slice %arg2[%dma_start3A, %mul3A_12] : memref<2x320000xi32, #tpu.memory_space<hbm>> -> memref<2x10112xi32, #tpu.memory_space<hbm>>
    %dma_start3A_14 = arith.constant 0 : i32
    %dma_start3A_15 = tpu.memref_slice %arg2[%dma_start3A_14, %mul3A_12] : memref<2x320000xi32, #tpu.memory_space<hbm>> -> memref<2x10112xi32, #tpu.memory_space<hbm>>
    tpu.enqueue_dma source(%dma_start3A_15 : memref<2x10112xi32, #tpu.memory_space<hbm>>) target(%arg4 : memref<2x10112xi32, #tpu.memory_space<vmem>>) target_semaphore(%arg6 : memref<!tpu.dma_semaphore, #tpu.memory_space<semaphore_mem>>)
    %broadcast_in_dim3A = arith.constant 0.000000e+00 : f32
    %broadcast_in_dim3A_16 = vector.broadcast %broadcast_in_dim3A : f32 to vector<16xf32>
    %scan3A = arith.constant 0 : i32
    %scan3A_17 = arith.constant 0 : i32
    %scan3A_18 = arith.constant 25 : i32
    %scan3A_19 = arith.addi %scan3A_17, %scan3A_18 : i32
    %scan3A_20 = arith.constant 1 : i32
    scf.for %scan3A_36 = %scan3A_17 to %scan3A_19 step %scan3A_20  : i32 {
      %mul3A_37 = arith.constant 25 : i32
      %mul3A_38 = arith.muli %scan3A_36, %mul3A_37 : i32
      %add3A_39 = arith.constant 0 : i32
      %add3A_40 = arith.addi %mul3A_38, %add3A_39 : i32
      %mul3A_41 = arith.constant 16 : i32
      %mul3A_42 = arith.muli %add3A_40, %mul3A_41 : i32
      %swap3A = arith.index_cast %mul3A_42 : i32 to index
      %swap3A_43 = tpu.vector_load %arg5[%swap3A] {strides = array<i32>} : memref<10000xf32, #tpu.memory_space<vmem>>, vector<16xf32>,
      tpu.vector_store %arg5[%swap3A], %broadcast_in_dim3A_16 {strides = array<i32>} : memref<10000xf32, #tpu.memory_space<vmem>>, vector<16xf32>,
      %mul3A_44 = arith.constant 25 : i32
      %mul3A_45 = arith.muli %scan3A_36, %mul3A_44 : i32
      %add3A_46 = arith.constant 1 : i32
      %add3A_47 = arith.addi %mul3A_45, %add3A_46 : i32
      %mul3A_48 = arith.constant 16 : i32
      %mul3A_49 = arith.muli %add3A_47, %mul3A_48 : i32
      %swap3A_50 = arith.index_cast %mul3A_49 : i32 to index
      %swap3A_51 = tpu.vector_load %arg5[%swap3A_50] {strides = array<i32>} : memref<10000xf32, #tpu.memory_space<vmem>>, vector<16xf32>,
      tpu.vector_store %arg5[%swap3A_50], %broadcast_in_dim3A_16 {strides = array<i32>} : memref<10000xf32, #tpu.memory_space<vmem>>, vector<16xf32>,
      %mul3A_52 = arith.constant 25 : i32
      %mul3A_53 = arith.muli %scan3A_36, %mul3A_52 : i32
      %add3A_54 = arith.constant 2 : i32
      %add3A_55 = arith.addi %mul3A_53, %add3A_54 : i32
      %mul3A_56 = arith.constant 16 : i32
      %mul3A_57 = arith.muli %add3A_55, %mul3A_56 : i32
      %swap3A_58 = arith.index_cast %mul3A_57 : i32 to index
      %swap3A_59 = tpu.vector_load %arg5[%swap3A_58] {strides = array<i32>} : memref<10000xf32, #tpu.memory_space<vmem>>, vector<16xf32>,
      tpu.vector_store %arg5[%swap3A_58], %broadcast_in_dim3A_16 {strides = array<i32>} : memref<10000xf32, #tpu.memory_space<vmem>>, vector<16xf32>,
      %mul3A_60 = arith.constant 25 : i32
      %mul3A_61 = arith.muli %scan3A_36, %mul3A_60 : i32
      %add3A_62 = arith.constant 3 : i32
      %add3A_63 = arith.addi %mul3A_61, %add3A_62 : i32
      %mul3A_64 = arith.constant 16 : i32
      %mul3A_65 = arith.muli %add3A_63, %mul3A_64 : i32
      %swap3A_66 = arith.index_cast %mul3A_65 : i32 to index
      %swap3A_67 = tpu.vector_load %arg5[%swap3A_66] {strides = array<i32>} : memref<10000xf32, #tpu.memory_space<vmem>>, vector<16xf32>,
      tpu.vector_store %arg5[%swap3A_66], %broadcast_in_dim3A_16 {strides = array<i32>} : memref<10000xf32, #tpu.memory_space<vmem>>, vector<16xf32>,
      %mul3A_68 = arith.constant 25 : i32
      %mul3A_69 = arith.muli %scan3A_36, %mul3A_68 : i32
      %add3A_70 = arith.constant 4 : i32
      %add3A_71 = arith.addi %mul3A_69, %add3A_70 : i32
      %mul3A_72 = arith.constant 16 : i32
      %mul3A_73 = arith.muli %add3A_71, %mul3A_72 : i32
      %swap3A_74 = arith.index_cast %mul3A_73 : i32 to index
      %swap3A_75 = tpu.vector_load %arg5[%swap3A_74] {strides = array<i32>} : memref<10000xf32, #tpu.memory_space<vmem>>, vector<16xf32>,
      tpu.vector_store %arg5[%swap3A_74], %broadcast_in_dim3A_16 {strides = array<i32>} : memref<10000xf32, #tpu.memory_space<vmem>>, vector<16xf32>,
      %mul3A_76 = arith.constant 25 : i32
      %mul3A_77 = arith.muli %scan3A_36, %mul3A_76 : i32
      %add3A_78 = arith.constant 5 : i32
      %add3A_79 = arith.addi %mul3A_77, %add3A_78 : i32
      %mul3A_80 = arith.constant 16 : i32
      %mul3A_81 = arith.muli %add3A_79, %mul3A_80 : i32
      %swap3A_82 = arith.index_cast %mul3A_81 : i32 to index
      %swap3A_83 = tpu.vector_load %arg5[%swap3A_82] {strides = array<i32>} : memref<10000xf32, #tpu.memory_space<vmem>>, vector<16xf32>,
      tpu.vector_store %arg5[%swap3A_82], %broadcast_in_dim3A_16 {strides = array<i32>} : memref<10000xf32, #tpu.memory_space<vmem>>, vector<16xf32>,
      %mul3A_84 = arith.constant 25 : i32
      %mul3A_85 = arith.muli %scan3A_36, %mul3A_84 : i32
      %add3A_86 = arith.constant 6 : i32
      %add3A_87 = arith.addi %mul3A_85, %add3A_86 : i32
      %mul3A_88 = arith.constant 16 : i32
      %mul3A_89 = arith.muli %add3A_87, %mul3A_88 : i32
      %swap3A_90 = arith.index_cast %mul3A_89 : i32 to index
      %swap3A_91 = tpu.vector_load %arg5[%swap3A_90] {strides = array<i32>} : memref<10000xf32, #tpu.memory_space<vmem>>, vector<16xf32>,
      tpu.vector_store %arg5[%swap3A_90], %broadcast_in_dim3A_16 {strides = array<i32>} : memref<10000xf32, #tpu.memory_space<vmem>>, vector<16xf32>,
      %mul3A_92 = arith.constant 25 : i32
      %mul3A_93 = arith.muli %scan3A_36, %mul3A_92 : i32
      %add3A_94 = arith.constant 7 : i32
      %add3A_95 = arith.addi %mul3A_93, %add3A_94 : i32
      %mul3A_96 = arith.constant 16 : i32
      %mul3A_97 = arith.muli %add3A_95, %mul3A_96 : i32
      %swap3A_98 = arith.index_cast %mul3A_97 : i32 to index
      %swap3A_99 = tpu.vector_load %arg5[%swap3A_98] {strides = array<i32>} : memref<10000xf32, #tpu.memory_space<vmem>>, vector<16xf32>,
      tpu.vector_store %arg5[%swap3A_98], %broadcast_in_dim3A_16 {strides = array<i32>} : memref<10000xf32, #tpu.memory_space<vmem>>, vector<16xf32>,
      %mul3A_100 = arith.constant 25 : i32
      %mul3A_101 = arith.muli %scan3A_36, %mul3A_100 : i32
      %add3A_102 = arith.constant 8 : i32
      %add3A_103 = arith.addi %mul3A_101, %add3A_102 : i32
      %mul3A_104 = arith.constant 16 : i32
      %mul3A_105 = arith.muli %add3A_103, %mul3A_104 : i32
      %swap3A_106 = arith.index_cast %mul3A_105 : i32 to index
      %swap3A_107 = tpu.vector_load %arg5[%swap3A_106] {strides = array<i32>} : memref<10000xf32, #tpu.memory_space<vmem>>, vector<16xf32>,
      tpu.vector_store %arg5[%swap3A_106], %broadcast_in_dim3A_16 {strides = array<i32>} : memref<10000xf32, #tpu.memory_space<vmem>>, vector<16xf32>,
      %mul3A_108 = arith.constant 25 : i32
      %mul3A_109 = arith.muli %scan3A_36, %mul3A_108 : i32
      %add3A_110 = arith.constant 9 : i32
      %add3A_111 = arith.addi %mul3A_109, %add3A_110 : i32
      %mul3A_112 = arith.constant 16 : i32
      %mul3A_113 = arith.muli %add3A_111, %mul3A_112 : i32
      %swap3A_114 = arith.index_cast %mul3A_113 : i32 to index
      %swap3A_115 = tpu.vector_load %arg5[%swap3A_114] {strides = array<i32>} : memref<10000xf32, #tpu.memory_space<vmem>>, vector<16xf32>,
      tpu.vector_store %arg5[%swap3A_114], %broadcast_in_dim3A_16 {strides = array<i32>} : memref<10000xf32, #tpu.memory_space<vmem>>, vector<16xf32>,
      %mul3A_116 = arith.constant 25 : i32
      %mul3A_117 = arith.muli %scan3A_36, %mul3A_116 : i32
      %add3A_118 = arith.constant 10 : i32
      %add3A_119 = arith.addi %mul3A_117, %add3A_118 : i32
      %mul3A_120 = arith.constant 16 : i32
      %mul3A_121 = arith.muli %add3A_119, %mul3A_120 : i32
      %swap3A_122 = arith.index_cast %mul3A_121 : i32 to index
      %swap3A_123 = tpu.vector_load %arg5[%swap3A_122] {strides = array<i32>} : memref<10000xf32, #tpu.memory_space<vmem>>, vector<16xf32>,
      tpu.vector_store %arg5[%swap3A_122], %broadcast_in_dim3A_16 {strides = array<i32>} : memref<10000xf32, #tpu.memory_space<vmem>>, vector<16xf32>,
      %mul3A_124 = arith.constant 25 : i32
      %mul3A_125 = arith.muli %scan3A_36, %mul3A_124 : i32
      %add3A_126 = arith.constant 11 : i32
      %add3A_127 = arith.addi %mul3A_125, %add3A_126 : i32
      %mul3A_128 = arith.constant 16 : i32
      %mul3A_129 = arith.muli %add3A_127, %mul3A_128 : i32
      %swap3A_130 = arith.index_cast %mul3A_129 : i32 to index
      %swap3A_131 = tpu.vector_load %arg5[%swap3A_130] {strides = array<i32>} : memref<10000xf32, #tpu.memory_space<vmem>>, vector<16xf32>,
      tpu.vector_store %arg5[%swap3A_130], %broadcast_in_dim3A_16 {strides = array<i32>} : memref<10000xf32, #tpu.memory_space<vmem>>, vector<16xf32>,
      %mul3A_132 = arith.constant 25 : i32
      %mul3A_133 = arith.muli %scan3A_36, %mul3A_132 : i32
      %add3A_134 = arith.constant 12 : i32
      %add3A_135 = arith.addi %mul3A_133, %add3A_134 : i32
      %mul3A_136 = arith.constant 16 : i32
      %mul3A_137 = arith.muli %add3A_135, %mul3A_136 : i32
      %swap3A_138 = arith.index_cast %mul3A_137 : i32 to index
      %swap3A_139 = tpu.vector_load %arg5[%swap3A_138] {strides = array<i32>} : memref<10000xf32, #tpu.memory_space<vmem>>, vector<16xf32>,
      tpu.vector_store %arg5[%swap3A_138], %broadcast_in_dim3A_16 {strides = array<i32>} : memref<10000xf32, #tpu.memory_space<vmem>>, vector<16xf32>,
      %mul3A_140 = arith.constant 25 : i32
      %mul3A_141 = arith.muli %scan3A_36, %mul3A_140 : i32
      %add3A_142 = arith.constant 13 : i32
      %add3A_143 = arith.addi %mul3A_141, %add3A_142 : i32
      %mul3A_144 = arith.constant 16 : i32
      %mul3A_145 = arith.muli %add3A_143, %mul3A_144 : i32
      %swap3A_146 = arith.index_cast %mul3A_145 : i32 to index
      %swap3A_147 = tpu.vector_load %arg5[%swap3A_146] {strides = array<i32>} : memref<10000xf32, #tpu.memory_space<vmem>>, vector<16xf32>,
      tpu.vector_store %arg5[%swap3A_146], %broadcast_in_dim3A_16 {strides = array<i32>} : memref<10000xf32, #tpu.memory_space<vmem>>, vector<16xf32>,
      %mul3A_148 = arith.constant 25 : i32
      %mul3A_149 = arith.muli %scan3A_36, %mul3A_148 : i32
      %add3A_150 = arith.constant 14 : i32
      %add3A_151 = arith.addi %mul3A_149, %add3A_150 : i32
      %mul3A_152 = arith.constant 16 : i32
      %mul3A_153 = arith.muli %add3A_151, %mul3A_152 : i32
      %swap3A_154 = arith.index_cast %mul3A_153 : i32 to index
      %swap3A_155 = tpu.vector_load %arg5[%swap3A_154] {strides = array<i32>} : memref<10000xf32, #tpu.memory_space<vmem>>, vector<16xf32>,
      tpu.vector_store %arg5[%swap3A_154], %broadcast_in_dim3A_16 {strides = array<i32>} : memref<10000xf32, #tpu.memory_space<vmem>>, vector<16xf32>,
      %mul3A_156 = arith.constant 25 : i32
      %mul3A_157 = arith.muli %scan3A_36, %mul3A_156 : i32
      %add3A_158 = arith.constant 15 : i32
      %add3A_159 = arith.addi %mul3A_157, %add3A_158 : i32
      %mul3A_160 = arith.constant 16 : i32
      %mul3A_161 = arith.muli %add3A_159, %mul3A_160 : i32
      %swap3A_162 = arith.index_cast %mul3A_161 : i32 to index
      %swap3A_163 = tpu.vector_load %arg5[%swap3A_162] {strides = array<i32>} : memref<10000xf32, #tpu.memory_space<vmem>>, vector<16xf32>,
      tpu.vector_store %arg5[%swap3A_162], %broadcast_in_dim3A_16 {strides = array<i32>} : memref<10000xf32, #tpu.memory_space<vmem>>, vector<16xf32>,
      %mul3A_164 = arith.constant 25 : i32
      %mul3A_165 = arith.muli %scan3A_36, %mul3A_164 : i32
      %add3A_166 = arith.constant 16 : i32
      %add3A_167 = arith.addi %mul3A_165, %add3A_166 : i32
      %mul3A_168 = arith.constant 16 : i32
      %mul3A_169 = arith.muli %add3A_167, %mul3A_168 : i32
      %swap3A_170 = arith.index_cast %mul3A_169 : i32 to index
      %swap3A_171 = tpu.vector_load %arg5[%swap3A_170] {strides = array<i32>} : memref<10000xf32, #tpu.memory_space<vmem>>, vector<16xf32>,
      tpu.vector_store %arg5[%swap3A_170], %broadcast_in_dim3A_16 {strides = array<i32>} : memref<10000xf32, #tpu.memory_space<vmem>>, vector<16xf32>,
      %mul3A_172 = arith.constant 25 : i32
      %mul3A_173 = arith.muli %scan3A_36, %mul3A_172 : i32
      %add3A_174 = arith.constant 17 : i32
      %add3A_175 = arith.addi %mul3A_173, %add3A_174 : i32
      %mul3A_176 = arith.constant 16 : i32
      %mul3A_177 = arith.muli %add3A_175, %mul3A_176 : i32
      %swap3A_178 = arith.index_cast %mul3A_177 : i32 to index
      %swap3A_179 = tpu.vector_load %arg5[%swap3A_178] {strides = array<i32>} : memref<10000xf32, #tpu.memory_space<vmem>>, vector<16xf32>,
      tpu.vector_store %arg5[%swap3A_178], %broadcast_in_dim3A_16 {strides = array<i32>} : memref<10000xf32, #tpu.memory_space<vmem>>, vector<16xf32>,
      %mul3A_180 = arith.constant 25 : i32
      %mul3A_181 = arith.muli %scan3A_36, %mul3A_180 : i32
      %add3A_182 = arith.constant 18 : i32
      %add3A_183 = arith.addi %mul3A_181, %add3A_182 : i32
      %mul3A_184 = arith.constant 16 : i32
      %mul3A_185 = arith.muli %add3A_183, %mul3A_184 : i32
      %swap3A_186 = arith.index_cast %mul3A_185 : i32 to index
      %swap3A_187 = tpu.vector_load %arg5[%swap3A_186] {strides = array<i32>} : memref<10000xf32, #tpu.memory_space<vmem>>, vector<16xf32>,
      tpu.vector_store %arg5[%swap3A_186], %broadcast_in_dim3A_16 {strides = array<i32>} : memref<10000xf32, #tpu.memory_space<vmem>>, vector<16xf32>,
      %mul3A_188 = arith.constant 25 : i32
      %mul3A_189 = arith.muli %scan3A_36, %mul3A_188 : i32
      %add3A_190 = arith.constant 19 : i32
      %add3A_191 = arith.addi %mul3A_189, %add3A_190 : i32
      %mul3A_192 = arith.constant 16 : i32
      %mul3A_193 = arith.muli %add3A_191, %mul3A_192 : i32
      %swap3A_194 = arith.index_cast %mul3A_193 : i32 to index
      %swap3A_195 = tpu.vector_load %arg5[%swap3A_194] {strides = array<i32>} : memref<10000xf32, #tpu.memory_space<vmem>>, vector<16xf32>,
      tpu.vector_store %arg5[%swap3A_194], %broadcast_in_dim3A_16 {strides = array<i32>} : memref<10000xf32, #tpu.memory_space<vmem>>, vector<16xf32>,
      %mul3A_196 = arith.constant 25 : i32
      %mul3A_197 = arith.muli %scan3A_36, %mul3A_196 : i32
      %add3A_198 = arith.constant 20 : i32
      %add3A_199 = arith.addi %mul3A_197, %add3A_198 : i32
      %mul3A_200 = arith.constant 16 : i32
      %mul3A_201 = arith.muli %add3A_199, %mul3A_200 : i32
      %swap3A_202 = arith.index_cast %mul3A_201 : i32 to index
      %swap3A_203 = tpu.vector_load %arg5[%swap3A_202] {strides = array<i32>} : memref<10000xf32, #tpu.memory_space<vmem>>, vector<16xf32>,
      tpu.vector_store %arg5[%swap3A_202], %broadcast_in_dim3A_16 {strides = array<i32>} : memref<10000xf32, #tpu.memory_space<vmem>>, vector<16xf32>,
      %mul3A_204 = arith.constant 25 : i32
      %mul3A_205 = arith.muli %scan3A_36, %mul3A_204 : i32
      %add3A_206 = arith.constant 21 : i32
      %add3A_207 = arith.addi %mul3A_205, %add3A_206 : i32
      %mul3A_208 = arith.constant 16 : i32
      %mul3A_209 = arith.muli %add3A_207, %mul3A_208 : i32
      %swap3A_210 = arith.index_cast %mul3A_209 : i32 to index
      %swap3A_211 = tpu.vector_load %arg5[%swap3A_210] {strides = array<i32>} : memref<10000xf32, #tpu.memory_space<vmem>>, vector<16xf32>,
      tpu.vector_store %arg5[%swap3A_210], %broadcast_in_dim3A_16 {strides = array<i32>} : memref<10000xf32, #tpu.memory_space<vmem>>, vector<16xf32>,
      %mul3A_212 = arith.constant 25 : i32
      %mul3A_213 = arith.muli %scan3A_36, %mul3A_212 : i32
      %add3A_214 = arith.constant 22 : i32
      %add3A_215 = arith.addi %mul3A_213, %add3A_214 : i32
      %mul3A_216 = arith.constant 16 : i32
      %mul3A_217 = arith.muli %add3A_215, %mul3A_216 : i32
      %swap3A_218 = arith.index_cast %mul3A_217 : i32 to index
      %swap3A_219 = tpu.vector_load %arg5[%swap3A_218] {strides = array<i32>} : memref<10000xf32, #tpu.memory_space<vmem>>, vector<16xf32>,
      tpu.vector_store %arg5[%swap3A_218], %broadcast_in_dim3A_16 {strides = array<i32>} : memref<10000xf32, #tpu.memory_space<vmem>>, vector<16xf32>,
      %mul3A_220 = arith.constant 25 : i32
      %mul3A_221 = arith.muli %scan3A_36, %mul3A_220 : i32
      %add3A_222 = arith.constant 23 : i32
      %add3A_223 = arith.addi %mul3A_221, %add3A_222 : i32
      %mul3A_224 = arith.constant 16 : i32
      %mul3A_225 = arith.muli %add3A_223, %mul3A_224 : i32
      %swap3A_226 = arith.index_cast %mul3A_225 : i32 to index
      %swap3A_227 = tpu.vector_load %arg5[%swap3A_226] {strides = array<i32>} : memref<10000xf32, #tpu.memory_space<vmem>>, vector<16xf32>,
      tpu.vector_store %arg5[%swap3A_226], %broadcast_in_dim3A_16 {strides = array<i32>} : memref<10000xf32, #tpu.memory_space<vmem>>, vector<16xf32>,
      %mul3A_228 = arith.constant 25 : i32
      %mul3A_229 = arith.muli %scan3A_36, %mul3A_228 : i32
      %add3A_230 = arith.constant 24 : i32
      %add3A_231 = arith.addi %mul3A_229, %add3A_230 : i32
      %mul3A_232 = arith.constant 16 : i32
      %mul3A_233 = arith.muli %add3A_231, %mul3A_232 : i32
      %swap3A_234 = arith.index_cast %mul3A_233 : i32 to index
      %swap3A_235 = tpu.vector_load %arg5[%swap3A_234] {strides = array<i32>} : memref<10000xf32, #tpu.memory_space<vmem>>, vector<16xf32>,
      tpu.vector_store %arg5[%swap3A_234], %broadcast_in_dim3A_16 {strides = array<i32>} : memref<10000xf32, #tpu.memory_space<vmem>>, vector<16xf32>,
    }
    %scan3A_21 = arith.constant 25 : i32
    %dma_wait3A = arith.constant 0 : i32
    %dma_wait3A_22 = tpu.memref_slice %arg2[%dma_wait3A, %mul3A_12] : memref<2x320000xi32, #tpu.memory_space<hbm>> -> memref<2x10112xi32, #tpu.memory_space<hbm>>
    %dma_wait3A_23 = arith.constant 0 : i32
    %dma_wait3A_24 = tpu.memref_slice %arg2[%dma_wait3A_23, %mul3A_12] : memref<2x320000xi32, #tpu.memory_space<hbm>> -> memref<2x10112xi32, #tpu.memory_space<hbm>>
    tpu.wait_dma2 semaphore(%arg6 : memref<!tpu.dma_semaphore, #tpu.memory_space<semaphore_mem>>) src(%dma_wait3A_24 : memref<2x10112xi32, #tpu.memory_space<hbm>>) dst(%arg4 : memref<2x10112xi32, #tpu.memory_space<vmem>>)
    %broadcast_in_dim3A_25 = arith.constant 1.000000e+00 : f32
    %broadcast_in_dim3A_26 = vector.broadcast %broadcast_in_dim3A_25 : f32 to vector<16xf32>
    %while3A = arith.constant 0 : i32
    %while3A_27 = arith.constant 0 : i32
    %while3A_28 = arith.subi %add3A_8, %while3A_27 : i32
    %while3A_29 = arith.addi %while3A_27, %while3A_28 : i32
    %while3A_30 = arith.constant 1 : i32
    %while3A_31 = arith.divsi %while3A_28, %while3A_30 : i32
    %while3A_32 = arith.muli %while3A_31, %while3A_30 : i32
    %while3A_33 = arith.addi %while3A_27, %while3A_32 : i32
    %while3A_34 = arith.constant 1 : i32
    scf.for %while3A_36 = %while3A_27 to %while3A_33 step %while3A_34  : i32 {
      %add3A_37 = arith.addi %sub3A, %while3A_36 : i32
      %mul3A_38 = arith.constant 128 : i32
      %mul3A_39 = arith.muli %add3A_37, %mul3A_38 : i32
      %add3A_40 = arith.constant 0 : i32
      %add3A_41 = arith.addi %mul3A_39, %add3A_40 : i32
      %get3A = arith.constant 1 : i32
      %get3A_42 = arith.index_cast %get3A : i32 to index
      %get3A_43 = arith.index_cast %add3A_41 : i32 to index
      %get3A_44 = tpu.vector_load %arg4[%get3A_42, %get3A_43] {strides = array<i32>} : memref<2x10112xi32, #tpu.memory_space<vmem>>, vector<16xi32>,
      %add3A_45 = arith.constant 16 : i32
      %add3A_46 = arith.addi %mul3A_39, %add3A_45 : i32
      %get3A_47 = arith.constant 1 : i32
      %get3A_48 = arith.index_cast %get3A_47 : i32 to index
      %get3A_49 = arith.index_cast %add3A_46 : i32 to index
      %get3A_50 = tpu.vector_load %arg4[%get3A_48, %get3A_49] {strides = array<i32>} : memref<2x10112xi32, #tpu.memory_space<vmem>>, vector<16xi32>,
      %add3A_51 = arith.constant 32 : i32
      %add3A_52 = arith.addi %mul3A_39, %add3A_51 : i32
      %get3A_53 = arith.constant 1 : i32
      %get3A_54 = arith.index_cast %get3A_53 : i32 to index
      %get3A_55 = arith.index_cast %add3A_52 : i32 to index
      %get3A_56 = tpu.vector_load %arg4[%get3A_54, %get3A_55] {strides = array<i32>} : memref<2x10112xi32, #tpu.memory_space<vmem>>, vector<16xi32>,
      %add3A_57 = arith.constant 48 : i32
      %add3A_58 = arith.addi %mul3A_39, %add3A_57 : i32
      %get3A_59 = arith.constant 1 : i32
      %get3A_60 = arith.index_cast %get3A_59 : i32 to index
      %get3A_61 = arith.index_cast %add3A_58 : i32 to index
      %get3A_62 = tpu.vector_load %arg4[%get3A_60, %get3A_61] {strides = array<i32>} : memref<2x10112xi32, #tpu.memory_space<vmem>>, vector<16xi32>,
      %add3A_63 = arith.constant 64 : i32
      %add3A_64 = arith.addi %mul3A_39, %add3A_63 : i32
      %get3A_65 = arith.constant 1 : i32
      %get3A_66 = arith.index_cast %get3A_65 : i32 to index
      %get3A_67 = arith.index_cast %add3A_64 : i32 to index
      %get3A_68 = tpu.vector_load %arg4[%get3A_66, %get3A_67] {strides = array<i32>} : memref<2x10112xi32, #tpu.memory_space<vmem>>, vector<16xi32>,
      %add3A_69 = arith.constant 80 : i32
      %add3A_70 = arith.addi %mul3A_39, %add3A_69 : i32
      %get3A_71 = arith.constant 1 : i32
      %get3A_72 = arith.index_cast %get3A_71 : i32 to index
      %get3A_73 = arith.index_cast %add3A_70 : i32 to index
      %get3A_74 = tpu.vector_load %arg4[%get3A_72, %get3A_73] {strides = array<i32>} : memref<2x10112xi32, #tpu.memory_space<vmem>>, vector<16xi32>,
      %add3A_75 = arith.constant 96 : i32
      %add3A_76 = arith.addi %mul3A_39, %add3A_75 : i32
      %get3A_77 = arith.constant 1 : i32
      %get3A_78 = arith.index_cast %get3A_77 : i32 to index
      %get3A_79 = arith.index_cast %add3A_76 : i32 to index
      %get3A_80 = tpu.vector_load %arg4[%get3A_78, %get3A_79] {strides = array<i32>} : memref<2x10112xi32, #tpu.memory_space<vmem>>, vector<16xi32>,
      %add3A_81 = arith.constant 112 : i32
      %add3A_82 = arith.addi %mul3A_39, %add3A_81 : i32
      %get3A_83 = arith.constant 1 : i32
      %get3A_84 = arith.index_cast %get3A_83 : i32 to index
      %get3A_85 = arith.index_cast %add3A_82 : i32 to index
      %get3A_86 = tpu.vector_load %arg4[%get3A_84, %get3A_85] {strides = array<i32>} : memref<2x10112xi32, #tpu.memory_space<vmem>>, vector<16xi32>,
      tpu.vector_store_idx %arg5[%get3A_44], %broadcast_in_dim3A_26 {add = true} : memref<10000xf32, #tpu.memory_space<vmem>>[vector<16xi32>], vector<16xf32>,
      tpu.vector_store_idx %arg5[%get3A_50], %broadcast_in_dim3A_26 {add = true} : memref<10000xf32, #tpu.memory_space<vmem>>[vector<16xi32>], vector<16xf32>,
      tpu.vector_store_idx %arg5[%get3A_56], %broadcast_in_dim3A_26 {add = true} : memref<10000xf32, #tpu.memory_space<vmem>>[vector<16xi32>], vector<16xf32>,
      tpu.vector_store_idx %arg5[%get3A_62], %broadcast_in_dim3A_26 {add = true} : memref<10000xf32, #tpu.memory_space<vmem>>[vector<16xi32>], vector<16xf32>,
      tpu.vector_store_idx %arg5[%get3A_68], %broadcast_in_dim3A_26 {add = true} : memref<10000xf32, #tpu.memory_space<vmem>>[vector<16xi32>], vector<16xf32>,
      tpu.vector_store_idx %arg5[%get3A_74], %broadcast_in_dim3A_26 {add = true} : memref<10000xf32, #tpu.memory_space<vmem>>[vector<16xi32>], vector<16xf32>,
      tpu.vector_store_idx %arg5[%get3A_80], %broadcast_in_dim3A_26 {add = true} : memref<10000xf32, #tpu.memory_space<vmem>>[vector<16xi32>], vector<16xf32>,
      tpu.vector_store_idx %arg5[%get3A_86], %broadcast_in_dim3A_26 {add = true} : memref<10000xf32, #tpu.memory_space<vmem>>[vector<16xi32>], vector<16xf32>,
    }
    %while3A_35 = arith.constant 1 : i32
    scf.for %while3A_36 = %while3A_33 to %while3A_29 step %while3A_35  : i32 {
      %add3A_37 = arith.addi %sub3A, %while3A_36 : i32
      %mul3A_38 = arith.constant 128 : i32
      %mul3A_39 = arith.muli %add3A_37, %mul3A_38 : i32
      %add3A_40 = arith.constant 0 : i32
      %add3A_41 = arith.addi %mul3A_39, %add3A_40 : i32
      %get3A = arith.constant 1 : i32
      %get3A_42 = arith.index_cast %get3A : i32 to index
      %get3A_43 = arith.index_cast %add3A_41 : i32 to index
      %get3A_44 = tpu.vector_load %arg4[%get3A_42, %get3A_43] {strides = array<i32>} : memref<2x10112xi32, #tpu.memory_space<vmem>>, vector<16xi32>,
      %add3A_45 = arith.constant 16 : i32
      %add3A_46 = arith.addi %mul3A_39, %add3A_45 : i32
      %get3A_47 = arith.constant 1 : i32
      %get3A_48 = arith.index_cast %get3A_47 : i32 to index
      %get3A_49 = arith.index_cast %add3A_46 : i32 to index
      %get3A_50 = tpu.vector_load %arg4[%get3A_48, %get3A_49] {strides = array<i32>} : memref<2x10112xi32, #tpu.memory_space<vmem>>, vector<16xi32>,
      %add3A_51 = arith.constant 32 : i32
      %add3A_52 = arith.addi %mul3A_39, %add3A_51 : i32
      %get3A_53 = arith.constant 1 : i32
      %get3A_54 = arith.index_cast %get3A_53 : i32 to index
      %get3A_55 = arith.index_cast %add3A_52 : i32 to index
      %get3A_56 = tpu.vector_load %arg4[%get3A_54, %get3A_55] {strides = array<i32>} : memref<2x10112xi32, #tpu.memory_space<vmem>>, vector<16xi32>,
      %add3A_57 = arith.constant 48 : i32
      %add3A_58 = arith.addi %mul3A_39, %add3A_57 : i32
      %get3A_59 = arith.constant 1 : i32
      %get3A_60 = arith.index_cast %get3A_59 : i32 to index
      %get3A_61 = arith.index_cast %add3A_58 : i32 to index
      %get3A_62 = tpu.vector_load %arg4[%get3A_60, %get3A_61] {strides = array<i32>} : memref<2x10112xi32, #tpu.memory_space<vmem>>, vector<16xi32>,
      %add3A_63 = arith.constant 64 : i32
      %add3A_64 = arith.addi %mul3A_39, %add3A_63 : i32
      %get3A_65 = arith.constant 1 : i32
      %get3A_66 = arith.index_cast %get3A_65 : i32 to index
      %get3A_67 = arith.index_cast %add3A_64 : i32 to index
      %get3A_68 = tpu.vector_load %arg4[%get3A_66, %get3A_67] {strides = array<i32>} : memref<2x10112xi32, #tpu.memory_space<vmem>>, vector<16xi32>,
      %add3A_69 = arith.constant 80 : i32
      %add3A_70 = arith.addi %mul3A_39, %add3A_69 : i32
      %get3A_71 = arith.constant 1 : i32
      %get3A_72 = arith.index_cast %get3A_71 : i32 to index
      %get3A_73 = arith.index_cast %add3A_70 : i32 to index
      %get3A_74 = tpu.vector_load %arg4[%get3A_72, %get3A_73] {strides = array<i32>} : memref<2x10112xi32, #tpu.memory_space<vmem>>, vector<16xi32>,
      %add3A_75 = arith.constant 96 : i32
      %add3A_76 = arith.addi %mul3A_39, %add3A_75 : i32
      %get3A_77 = arith.constant 1 : i32
      %get3A_78 = arith.index_cast %get3A_77 : i32 to index
      %get3A_79 = arith.index_cast %add3A_76 : i32 to index
      %get3A_80 = tpu.vector_load %arg4[%get3A_78, %get3A_79] {strides = array<i32>} : memref<2x10112xi32, #tpu.memory_space<vmem>>, vector<16xi32>,
      %add3A_81 = arith.constant 112 : i32
      %add3A_82 = arith.addi %mul3A_39, %add3A_81 : i32
      %get3A_83 = arith.constant 1 : i32
      %get3A_84 = arith.index_cast %get3A_83 : i32 to index
      %get3A_85 = arith.index_cast %add3A_82 : i32 to index
      %get3A_86 = tpu.vector_load %arg4[%get3A_84, %get3A_85] {strides = array<i32>} : memref<2x10112xi32, #tpu.memory_space<vmem>>, vector<16xi32>,
      tpu.vector_store_idx %arg5[%get3A_44], %broadcast_in_dim3A_26 {add = true} : memref<10000xf32, #tpu.memory_space<vmem>>[vector<16xi32>], vector<16xf32>,
      tpu.vector_store_idx %arg5[%get3A_50], %broadcast_in_dim3A_26 {add = true} : memref<10000xf32, #tpu.memory_space<vmem>>[vector<16xi32>], vector<16xf32>,
      tpu.vector_store_idx %arg5[%get3A_56], %broadcast_in_dim3A_26 {add = true} : memref<10000xf32, #tpu.memory_space<vmem>>[vector<16xi32>], vector<16xf32>,
      tpu.vector_store_idx %arg5[%get3A_62], %broadcast_in_dim3A_26 {add = true} : memref<10000xf32, #tpu.memory_space<vmem>>[vector<16xi32>], vector<16xf32>,
      tpu.vector_store_idx %arg5[%get3A_68], %broadcast_in_dim3A_26 {add = true} : memref<10000xf32, #tpu.memory_space<vmem>>[vector<16xi32>], vector<16xf32>,
      tpu.vector_store_idx %arg5[%get3A_74], %broadcast_in_dim3A_26 {add = true} : memref<10000xf32, #tpu.memory_space<vmem>>[vector<16xi32>], vector<16xf32>,
      tpu.vector_store_idx %arg5[%get3A_80], %broadcast_in_dim3A_26 {add = true} : memref<10000xf32, #tpu.memory_space<vmem>>[vector<16xi32>], vector<16xf32>,
      tpu.vector_store_idx %arg5[%get3A_86], %broadcast_in_dim3A_26 {add = true} : memref<10000xf32, #tpu.memory_space<vmem>>[vector<16xi32>], vector<16xf32>,
    }
    "tpu.region"() ({
      %run_scoped3A = tpu.sem_alloc : memref<!tpu.dma_semaphore, #tpu.memory_space<semaphore_mem>>
      %dma_start3A_36 = arith.constant 0 : i32
      %dma_start3A_37 = tpu.memref_slice %arg3[%add3A, %dma_start3A_36] : memref<32x10000xf32, #tpu.memory_space<hbm>> -> memref<1x10000xf32, #tpu.memory_space<hbm>>
      %dma_start3A_38 = tpu.memref_squeeze %dma_start3A_37 : memref<1x10000xf32, #tpu.memory_space<hbm>> -> memref<10000xf32, #tpu.memory_space<hbm>>
      %dma_start3A_39 = arith.constant 0 : i32
      %dma_start3A_40 = tpu.memref_slice %arg3[%add3A, %dma_start3A_39] : memref<32x10000xf32, #tpu.memory_space<hbm>> -> memref<1x10000xf32, #tpu.memory_space<hbm>>
      %dma_start3A_41 = tpu.memref_squeeze %dma_start3A_40 : memref<1x10000xf32, #tpu.memory_space<hbm>> -> memref<10000xf32, #tpu.memory_space<hbm>>
      tpu.enqueue_dma source(%arg5 : memref<10000xf32, #tpu.memory_space<vmem>>) target(%dma_start3A_41 : memref<10000xf32, #tpu.memory_space<hbm>>) target_semaphore(%run_scoped3A : memref<!tpu.dma_semaphore, #tpu.memory_space<semaphore_mem>>)
      %dma_wait3A_42 = arith.constant 0 : i32
      %dma_wait3A_43 = tpu.memref_slice %arg3[%add3A, %dma_wait3A_42] : memref<32x10000xf32, #tpu.memory_space<hbm>> -> memref<1x10000xf32, #tpu.memory_space<hbm>>
      %dma_wait3A_44 = tpu.memref_squeeze %dma_wait3A_43 : memref<1x10000xf32, #tpu.memory_space<hbm>> -> memref<10000xf32, #tpu.memory_space<hbm>>
      %dma_wait3A_45 = arith.constant 0 : i32
      %dma_wait3A_46 = tpu.memref_slice %arg3[%add3A, %dma_wait3A_45] : memref<32x10000xf32, #tpu.memory_space<hbm>> -> memref<1x10000xf32, #tpu.memory_space<hbm>>
      %dma_wait3A_47 = tpu.memref_squeeze %dma_wait3A_46 : memref<1x10000xf32, #tpu.memory_space<hbm>> -> memref<10000xf32, #tpu.memory_space<hbm>>
      tpu.wait_dma2 semaphore(%run_scoped3A : memref<!tpu.dma_semaphore, #tpu.memory_space<semaphore_mem>>) src(%arg5 : memref<10000xf32, #tpu.memory_space<vmem>>) dst(%dma_wait3A_47 : memref<10000xf32, #tpu.memory_space<hbm>>)
      tpu.yield
    }) : () -> ()
    return
  }
}

module attributes {stable_mosaic.version = 14 : i64} {
  func.func @body(%arg0: memref<32x10000xf32, #tpu.memory_space<vmem>>, %arg1: memref<10000x128xf32, #tpu.memory_space<vmem>>, %arg2: memref<128x256xf32, #tpu.memory_space<vmem>>, %arg3: memref<1x128xf32, #tpu.memory_space<vmem>>, %arg4: memref<10000x128xf32, #tpu.memory_space<vmem>>) attributes {dimension_semantics = [], scalar_prefetch = 0 : i64, scratch_operands = 0 : i64, tpu.core_type = #tpu.core_type<tc>} {
    %get3A = arith.constant 0 : index
    %get3A_0 = arith.constant 0 : index
    %get3A_1 = vector.load %arg1[%get3A, %get3A_0] : memref<10000x128xf32, #tpu.memory_space<vmem>>, vector<10000x128xf32>
    %get3A_2 = arith.constant 0 : index
    %get3A_3 = arith.constant 0 : index
    %get3A_4 = vector.load %arg2[%get3A_2, %get3A_3] : memref<128x256xf32, #tpu.memory_space<vmem>>, vector<128x128xf32>
    %get3A_5 = arith.constant 0 : index
    %get3A_6 = arith.constant 128 : index
    %get3A_7 = vector.load %arg2[%get3A_5, %get3A_6] : memref<128x256xf32, #tpu.memory_space<vmem>>, vector<128x128xf32>
    %get3A_8 = arith.constant 0 : index
    %get3A_9 = arith.constant 0 : index
    %get3A_10 = vector.load %arg0[%get3A_8, %get3A_9] : memref<32x10000xf32, #tpu.memory_space<vmem>>, vector<32x10000xf32>
    %dot_general3A = arith.constant dense<0.000000e+00> : vector<32x128xf32>
    %dot_general3A_11 = tpu.matmul %get3A_10, %get3A_1, %dot_general3A {dimension_numbers = #tpu.dot_dimension_numbers<[1], [0], [0], [1], [0, 0, 1, 1], [], []>, transpose_lhs_hint = false} : vector<32x10000xf32>, vector<10000x128xf32>, vector<32x128xf32> -> vector<32x128xf32>
    %reduce_sum3A = arith.constant dense<0.000000e+00> : vector<128xf32>
    %reduce_sum3A_12 = vector.multi_reduction <add>, %dot_general3A_11, %reduce_sum3A [0] : vector<32x128xf32> to vector<128xf32>
    %broadcast_in_dim3A = vector.shape_cast %reduce_sum3A_12 : vector<128xf32> to vector<1x128xf32>
    %mul3A = arith.constant 3.125000e-06 : f32
    %mul3A_13 = vector.broadcast %mul3A : f32 to vector<1x128xf32>
    %mul3A_14 = arith.mulf %broadcast_in_dim3A, %mul3A_13 : vector<1x128xf32>
    %broadcast_in_dim3A_15 = vector.shape_cast %mul3A_14 : vector<1x128xf32> to vector<1x128xf32>
    %broadcast_in_dim3A_16 = vector.broadcast %broadcast_in_dim3A_15 : vector<1x128xf32> to vector<8x128xf32>
    %dot_general3A_17 = arith.constant dense<0.000000e+00> : vector<8x128xf32>
    %dot_general3A_18 = tpu.matmul %broadcast_in_dim3A_16, %get3A_7, %dot_general3A_17 {dimension_numbers = #tpu.dot_dimension_numbers<[1], [1], [0], [0], [0, 0, 1, 0], [], []>, transpose_lhs_hint = false} : vector<8x128xf32>, vector<128x128xf32>, vector<8x128xf32> -> vector<8x128xf32>
    %slice3A = vector.extract_strided_slice %dot_general3A_18 {offsets = [0, 0], sizes = [1, 128], strides = [1, 1]} : vector<8x128xf32> to vector<1x128xf32>
    %get3A_19 = arith.constant 0 : index
    %get3A_20 = arith.constant 0 : index
    %get3A_21 = vector.load %arg3[%get3A_19, %get3A_20] : memref<1x128xf32, #tpu.memory_space<vmem>>, vector<1x128xf32>
    %add3A = arith.addf %slice3A, %get3A_21 : vector<1x128xf32>
    %dot_general3A_22 = arith.constant dense<0.000000e+00> : vector<10000x128xf32>
    %dot_general3A_23 = tpu.matmul %get3A_1, %get3A_4, %dot_general3A_22 {dimension_numbers = #tpu.dot_dimension_numbers<[1], [1], [0], [0], [0, 0, 1, 0], [], []>, transpose_lhs_hint = false} : vector<10000x128xf32>, vector<128x128xf32>, vector<10000x128xf32> -> vector<10000x128xf32>
    %add3A_24 = vector.broadcast %add3A : vector<1x128xf32> to vector<10000x128xf32>
    %add3A_25 = arith.addf %dot_general3A_23, %add3A_24 : vector<10000x128xf32>
    %swap3A = arith.constant 0 : index
    %swap3A_26 = arith.constant 0 : index
    %swap3A_27 = vector.load %arg4[%swap3A, %swap3A_26] : memref<10000x128xf32, #tpu.memory_space<vmem>>, vector<10000x128xf32>
    tpu.vector_store %arg4[%swap3A, %swap3A_26], %add3A_25 {strides = array<i32>} : memref<10000x128xf32, #tpu.memory_space<vmem>>, vector<10000x128xf32>,
    return
  }
}

</mosaic_0001>

<sc_bundles>
// kernel: kernel.4.cloned.1.call-start
scs
__scs_entry_jumppad:
0x0: {  	(pc) =	sbr.rel $0x88, $3  }
0x1: {  	(tag) =	ssettag $0x0;
	lr =	simm.s32 $0x1  }
0x2: {  	[smem:$0x3F9D] =	sst lr;
	_ =	strace $0xD0000000  }
0x3: {  	_ = 	snop  }
0x4: {  	_ = 	snop  }
0x5: {  	_ = 	snop  }
0x6: {  	_ = 	snop  }
0x7: {  	_ = 	snop  }
__scs_overlays_trampoline_lowered:
0x8: {  	[smem:$0x3FAC] =	sst s0  }
0x9: {  	[smem:$0x3FAD] =	sst s1  }
0xa: {  	[smem:$0x3FAE] =	sst s2  }
0xb: {  	[smem:$0x3FAF] =	sst s3  }
0xc: {  	[smem:$0x3FB0] =	sst s4  }
0xd: {  	[smem:$0x3FB1] =	sst s5  }
0xe: {  	[smem:$0x3FB2] =	sst s6  }
0xf: {  	[smem:$0x3FB3] =	sst s7  }
0x10: {  	[smem:$0x3FB4] =	sst s8  }
0x11: {  	[smem:$0x3FB5] =	sst s9;
	s0 =	simm.s32 @!p0 $0x0  }
0x12: {  	s1 =	sld [smem:$0x3F9B];
	s0 =	simm.s32 @p0 $0x1  }
0x13: {  	[smem:$0x3FB6] =	sst s0;
	s0 =	simm.s32 @!p1 $0x0  }
0x14: {  	s2 =	sld [smem:$0x3F9A];
	s0 =	simm.s32 @p1 $0x1  }
0x15: {  	[smem:$0x3FB7] =	sst s0;
	s0 =	simm.s32 @!p2 $0x0  }
0x16: {  	s3 =	sld [smem:$0x3FDB];
	s0 =	simm.s32 @p2 $0x1  }
0x17: {  	s4 =	simm.s32 $0x1BF5;
	[smem:$0x3FB9] =	sst s0  }
0x18: {  	s0 =	sld [smem:$0x3F9C];
	_ =	swait.ge [sflag:s4], $0x0  }
0x19: {  	s7 =	sld [smem:$0x3F9D]  }
0x1a: {  	s8 =	sadd.s32 $0xFFFFE003, lr  }
0x1b: {  	s9 =	sadd.s32 $0xFFFFFEF7, lr;
	s5 =	simm.s32 $0xFFFFFFFF;
	p2 =	slt.u32 s8, $0xFFFFF086  }
0x1c: {  	p1 =	slt.u32 s9, $0xF7A;
	s5 =	simm.s32 @!p2 $0x0  }
0x1d: {  	s5 =	simm.s32 @p1 $0x1;
	p0 =	seq.s32 s7, s2  }
0x1e: {  	s7 =	smul.u32 @!p0 $0xF7A, s2;
	p2 =	seq.s32 @!p0 s5, $0x0  }
0x1f: {  	s9 =	smul.u32 $0xF7A, s1;
	s8 =	simm.s32 @!p0 $0x1BF5;
	p2 =	por !p2, p0  }
0x20: {  	[sflag:s8] =	ssyncset.s32 @!p0 $0xFFFFF086;
	s6 =	sadd.s32 @!p0 s3, s7;
	s7 =	simm.s32 @!p0 $0x108  }
0x21: {  	s3 =	sadd.s32 s3, s9;
	s6 =	sadd.s32 @!p0 $0x88, s6;
	s7 =	simm.s32 @p2 $0x1082  }
0x22: {  	[simem:s7], [sflag:s8] =	dma.local @!p0 [hbm:s6], $0xF7A  }
0x23: {  	s9 =	sor.u32 $0xD0000000, s2;
	s6 =	simm.s32 $0x108;
	_ =	swait.ge @!p0 [sflag:s8], $0x0  }
0x24: {  	s3 =	sadd.s32 $0x88, s3;
	s6 =	simm.s32 @!p1 $0x1082;
	[sflag:s4] =	ssyncset.s32 $0xFFFFF086  }
0x25: {  	[simem:s6], [sflag:s4] =	dma.local [hbm:s3], $0xF7A  }
0x26: {  	[smem:$0x3F9D] =	sst s1;
	(tag) =	ssettag s2;
	_ =	strace s9  }
0x27: {  	s1 =	sld [smem:$0x3FAD]  }
0x28: {  	s2 =	sld [smem:$0x3FAE]  }
0x29: {  	s4 =	sld [smem:$0x3FB0]  }
0x2a: {  	p0 =	seq.s32 s5, $0x0;
	s5 =	sld [smem:$0x3FB1]  }
0x2b: {  	s6 =	sld [smem:$0x3FB2]  }
0x2c: {  	s7 =	sld [smem:$0x3FB3]  }
0x2d: {  	s3 =	simm.s32 $0x108;
	s8 =	sld [smem:$0x3FB4]  }
0x2e: {  	s3 =	simm.s32 @!p0 $0x1082;
	s9 =	sld [smem:$0x3FB5]  }
0x2f: {  	lr =	sadd.s32 s0, s3;
	s0 =	sld [smem:$0x3FAC]  }
0x30: {  	s3 =	sld [smem:$0x3FAF]  }
0x31: {  	[smem:$0x3FB8] =	sst s10  }
0x32: {  	s10 =	sld [smem:$0x3FB6];
	_ =	sdelay $0x3  }
0x33: {  	p0 =	seq.s32 s10, $0x1;
	s10 =	sld [smem:$0x3FB8];
	_ =	sdelay $0x3  }
0x34: {  	[smem:$0x3FB8] =	sst s10  }
0x35: {  	s10 =	sld [smem:$0x3FB7];
	_ =	sdelay $0x3  }
0x36: {  	p1 =	seq.s32 s10, $0x1;
	s10 =	sld [smem:$0x3FB8];
	_ =	sdelay $0x3  }
0x37: {  	[smem:$0x3FB8] =	sst s10  }
0x38: {  	s10 =	sld [smem:$0x3FB9]  }
0x39: {  	_ = 	snop;
	(pc) =	sbr.ind lr, $3  }
0x3a: {  	_ = 	snop  }
0x3b: {  	_ = 	snop  }
0x3c: {  	p2 =	seq.s32 s10, $0x1;
	s10 =	sld [smem:$0x3FB8]  }
0x3d: {  	_ =	shalt  }
0x3e: {  	_ =	shalt  }
0x3f: {  	_ =	shalt  }
0x40: {  	_ =	shalt  }
0x41: {  	_ =	shalt  }
0x42: {  	_ =	shalt  }
0x43: {  	_ =	shalt  }
0x44: {  	_ =	shalt  }
0x45: {  	_ =	shalt  }
0x46: {  	_ =	shalt  }
0x47: {  	_ =	shalt  }
0x48: {  	_ =	shalt  }
0x49: {  	_ =	shalt  }
0x4a: {  	_ =	shalt  }
0x4b: {  	_ =	shalt  }
0x4c: {  	_ =	shalt  }
0x4d: {  	_ =	shalt  }
0x4e: {  	_ =	shalt  }
0x4f: {  	_ =	shalt  }
0x50: {  	_ =	shalt  }
0x51: {  	_ =	shalt  }
0x52: {  	_ =	shalt  }
0x53: {  	_ =	shalt  }
0x54: {  	_ =	shalt  }
0x55: {  	_ =	shalt  }
0x56: {  	_ =	shalt  }
0x57: {  	_ =	shalt  }
0x58: {  	_ =	shalt  }
0x59: {  	_ =	shalt  }
0x5a: {  	_ =	shalt  }
0x5b: {  	_ =	shalt  }
0x5c: {  	_ =	shalt  }
0x5d: {  	_ =	shalt  }
0x5e: {  	_ =	shalt  }
0x5f: {  	_ =	shalt  }
0x60: {  	_ =	shalt  }
0x61: {  	_ =	shalt  }
0x62: {  	_ =	shalt  }
0x63: {  	_ =	shalt  }
0x64: {  	_ =	shalt  }
0x65: {  	_ =	shalt  }
0x66: {  	_ =	shalt  }
0x67: {  	_ =	shalt  }
0x68: {  	_ =	shalt  }
0x69: {  	_ =	shalt  }
0x6a: {  	_ =	shalt  }
0x6b: {  	_ =	shalt  }
0x6c: {  	_ =	shalt  }
0x6d: {  	_ =	shalt  }
0x6e: {  	_ =	shalt  }
0x6f: {  	_ =	shalt  }
0x70: {  	_ =	shalt  }
0x71: {  	_ =	shalt  }
0x72: {  	_ =	shalt  }
0x73: {  	_ =	shalt  }
0x74: {  	_ =	shalt  }
0x75: {  	_ =	shalt  }
0x76: {  	_ =	shalt  }
0x77: {  	_ =	shalt  }
0x78: {  	_ =	shalt  }
0x79: {  	_ =	shalt  }
0x7a: {  	_ =	shalt  }
0x7b: {  	_ =	shalt  }
0x7c: {  	_ =	shalt  }
0x7d: {  	_ =	shalt  }
0x7e: {  	_ =	shalt  }
0x7f: {  	_ =	shalt  }
0x80: {  	_ =	shalt  }
0x81: {  	_ =	shalt  }
0x82: {  	_ =	shalt  }
0x83: {  	_ =	shalt  }
0x84: {  	_ =	shalt  }
0x85: {  	_ =	shalt  }
0x86: {  	_ =	shalt  }
0x87: {  	_ =	shalt  }
.Lfunc_end0:
.L_simem_size_0:
called_computation_lowered:
.L_overlay_start_0:
0x88: {  	s2 =	sld [smem:$0x3FD9]  }
0x89: {  	s3 =	sld [smem:$0x3FFE];
	_ =	sdelay $0x1  }
0x8a: {  	s1 =	srdreg.scid  }
0x8b: {  	s0 =	sand.u32 $0x1, s1  }
0x8c: {  	s18 =	sshll.u32 s0, $0xA;
	s2 =	sadd.s32 s3, s2  }
0x8d: {  	s2 =	sadd.s32 s2, s18  }
0x8e: {  	[smem:$0x3FC4] =	sst s2  }
0x8f: {  	_ = 	snop  }
0x90: {  	s2 =	sld [smem:$0x3FC8]  }
0x91: {  	s19 =	sld [smem:$0x3FD0];
	(tm) =	ssettm $0x1  }
0x92: {  	s4 =	sld [smem:$0x3FFB];
	_ =	sdelay $0x3  }
0x93: {  	_ =	strace s4  }
0x94: {  	s4 =	sld [smem:$0x3FFC];
	_ =	sdelay $0x3  }
0x95: {  	_ =	strace s4  }
0x96: {  	s4 =	sld [smem:$0x3FFD];
	_ =	sdelay $0x3  }
0x97: {  	_ =	strace s4  }
0x98: {  	_ =	strace $0x8FFFFFFF  }
0x99: {  	s20 =	sld [smem:$0x3FDB];
	_ =	sdelay $0x1  }
0x9a: {  	s5 =	simm.s32 $_scs_section_size  }
0x9b: {  	s6 =	simm.s32 $_size__tile_overlayer_lowered;
	s7 =	simm.s32 $_tile_overlayer_lowered  }
0x9c: {  	s23 =	simm.s32 $0x1BFF;
	s22 =	sshll.u32 s7, $0x1;
	s4 =	sadd.s32 s5, s20  }
0x9d: {  	s8 =	simm.s32 $0x0;
	s21 =	sshll.u32 s6, $0x1;
	s6 =	sadd.s32 s22, s4  }
0x9e: {  	[timem:s8], [sflag:s23] =	dma.local [hbm:s6], s21  }
0x9f: {  	_ =	swait.ge [sflag:s23], s21  }
0xa0: {  	s5 =	ssub.s32 $0x0, s21;
	[sflag:s23] =	ssyncset.done $0x0  }
0xa1: {  	[sflag:s23] =	ssyncadd.s32 s5;
	_ =	sdelay $0x1  }
0xa2: {  	s24 =	simm.s32 $0x1B8B  }
0xa3: {  	_ =	swait.ge [sflag:s24], $0x1  }
0xa4: {  	[sflag:s24] =	ssyncset.done $0x0  }
0xa5: {  	s25 =	simm.s32 $0x1B8E;
	[sflag:s24] =	ssyncadd.s32 $0xFFFFFFFF  }
0xa6: {  	s26 =	simm.s32 $execute0_lowered;
	[smem:$0x3FD2] =	sst s25  }
0xa7: {  	s5 =	sshll.u32 s26, $0x1;
	_ =	strace $0x80000046;
	[dreg:$0x1] =	wrdreg $0xFFFFFFFF  }
0xa8: {  	s28 =	simm.s32 $_size_execute0_lowered;
	s4 =	sadd.s32 s4, s5;
	[dreg:$0x0] =	wrdreg $0x0  }
0xa9: {  	s5 =	sshll.u32 s28, $0x1;
	[dreg:$0x2] =	wrdreg s4  }
0xaa: {  	[dreg:$0x3] =	wrdreg s5  }
0xab: {  	[dreg:$0x4] =	wrdreg $0xC0  }
0xac: {  	_ =	task [dreg:s8], $0x5FFFF  }
0xad: {  	[dreg:$0x1] =	wrdreg $0xFFFFFFFF  }
0xae: {  	[dreg:$0x0] =	wrdreg $0x60  }
0xaf: {  	[dreg:$0x2] =	wrdreg s2  }
0xb0: {  	[dreg:$0x3] =	wrdreg s19  }
0xb1: {  	[dreg:$0x4] =	wrdreg $0x9  }
0xb2: {  	_ =	task.clear_ibuf [dreg:s8], $0x5FFFF;
	_ =	strace $0x90000046  }
0xb3: {  	s29 =	simm.s32 $0x9;
	_ =	strace $0x80000048  }
0xb4: {  	_ =	swait.ge [sflag:s29], $0x1  }
0xb5: {  	[sflag:s29] =	ssyncadd.s32 $0xFFFFFFFF  }
0xb6: {  	_ =	strace $0x90000048  }
0xb7: {  	_ =	sfence  }
0xb8: {  	s30 =	sld [smem:$0x0];
	_ =	sdelay $0x2  }
0xb9: {  	s31 =	sshll.u32 s1, $0xD;
	s1 =	sshrl.u32 s1, $0x2  }
0xba: {  	s3 =	sand.u32 $0x4000, s31;
	s1 =	sadd.s32 s1, s30  }
0xbb: {  	s0 =	sor.u32 s3, s0;
	s1 =	sshll.u32 s1, $0x11  }
0xbc: {  	s0 =	sor.u32 s1, s0  }
0xbd: {  	s0 =	sadd.s32 $0x8F2B, s0  }
0xbe: {  	[sflag:s0] =	ssyncadd.remote.s32 $0x1  }
0xbf: {  	_ =	sfence.sel $0xFFFF  }
0xc0: {  	[dreg:$0x0] =	wrdreg $0xFFFFFFFF;
	(pc) =	sbr.abs _section_cstart, $3  }
0xc1: {  	[dreg:$0x1] =	wrdreg $0xFFFFFFFF  }
0xc2: {  	_ =	task.clear_ibuf [dreg:s8], $0x2FFFF;
	_ =	strace $0x9FFFFFFF  }
0xc3: {  	(tm) =	ssettm $0x7FFFFFFF  }
tec
execute0_lowered:
.L_overlay_start_1:
0x0: {  	(tag) =	ssettag $0x1  }
0x1: {  	s4 =	rddreg [dreg:$0x0];
	s1 =	srdreg.scid  }
0x2: {  	s0 =	stileid.u32;
	s5 =	rddreg [dreg:$0x1];
	s6 =	sand.u32 $0x1, s1  }
0x3: {  	s2 =	sshll.u32 s0, $0x1;
	s11 =	smul.u32 $0x9C, s0;
	s12 =	sshrl.u32 s0, $0x2  }
0x4: {  	s7 =	sor.u32 s6, s2;
	s3 =	ssub.s32 $0x2, s6;
	s6 =	smul.u32 $0x4E, s6  }
0x5: {  	s13 =	simm.s32 $0x0;
	s1 =	rddreg [dreg:$0x2];
	s12 =	smul.u32 $0x13C00, s12  }
0x6: {  	p0 =	slt.u32 s0, $0x2;
	s2 =	simm.s32 $0x0;
	s8 =	smul.u32 $0x4E, s7  }
0x7: {  	[smem:$0x7FF] =	sst s2;
	s9 =	sshrl.u32 s3, $0x1;
	s10 =	smin.u32 s7, $0x4  }
0x8: {  	s7 =	sshll.u32 s7, $0x7;
	_ =	strace $0x80000047;
	s9 =	ssub.s32 s3, s9  }
0x9: {  	s3 =	simm.s32 $0x4F;
	s7 =	sand.u32 $0x380, s7;
	s8 =	sadd.s32 s10, s8  }
0xa: {  	s3 =	simm.s32 @!p0 $0x4E;
	s10 =	sadd.s32 s11, s10;
	s7 =	sor.u32 s12, s7  }
0xb: {  	s11 =	simm.s32 $0x400;
	s12 =	simm.s32 $0x2;
	s8 =	smin.u32 s8, $0x975  }
0xc: {  	s6 =	sadd.s32 s6, s10;
	s7 =	sshrl.u32 s7, $0x3;
	s10 =	simm.s32 $0x80  }
0xd: {  	s8 =	sshll.u32 s8, $0x5;
	s6 =	smax.u32 s6, $0x975;
	s5 =	sadd.s32 s5, s7  }
0xe: {  	s4 =	sadd.s32 s4, s8;
	s31 =	sshll.u32 s6, $0x8;
	s6 =	smax.u32 s9, $0x1  }
0xf: {  	v0 =	vimm.f32 $0.0e+00;
	v1 =	vimm.f32 $1.000000000e+00;
	s8 =	simm.s32 $0x1;
	s9 =	simm.s32 $0x4F00;
	s7 =	sadd.s32 $0xFFF68BF0, s31  }
.LBB2_1:
0x10: {  	[tilespmem:s2], [sflag:$0x1] =	stream.linear.gather [hbm4b:s4+s2], $0x4F00, $0x38;
	[tilespmem:$0x7680] =	vst v63  }
0x11: {  	s14 =	simm.s32 $0x4FC0  }
0x12: {  	[tilespmem:s14+$0xFFFFFF40] =	vst v0  }
0x13: {  	[tilespmem:s14+$0xFFFFFFB0] =	vst v0  }
0x14: {  	[tilespmem:s14+$0xFFFFFFA0] =	vst v0  }
0x15: {  	[tilespmem:s14+$0xFFFFFF90] =	vst v0  }
0x16: {  	[tilespmem:s14+$0xFFFFFF80] =	vst v0  }
0x17: {  	[tilespmem:s14+$0xFFFFFF70] =	vst v0  }
0x18: {  	[tilespmem:s14+$0xFFFFFF60] =	vst v0  }
0x19: {  	s15 =	sand.u32 $0x3FF0, s2;
	[tilespmem:s14+$0xFFFFFF50] =	vst v0  }
0x1a: {  	[tilespmem:s15+$0x4F80] =	vst v0  }
0x1b: {  	[tilespmem:s14+$0x30] =	vst v0  }
0x1c: {  	[tilespmem:s14+$0x20] =	vst v0  }
0x1d: {  	s16 =	simm.s32 $0x190;
	s17 =	simm.s32 $0x4FC0;
	[tilespmem:s14+$0x10] =	vst v0  }
.LBB2_2:
0x1e: {  	p0 =	sne.s32 s16, $0x2580  }
0x1f: {  	[tilespmem:s14+$0x0] =	vst v0;
	s17 =	sadd.s32 $0x190, s17;
	s18 =	smov.u32 s16;
	s16 =	sadd.s32 $0x190, s16  }
0x20: {  	[tilespmem:s14+$0xFFFFFFF0] =	vst v0  }
0x21: {  	[tilespmem:s14+$0xFFFFFFD0] =	vst v0  }
0x22: {  	[tilespmem:s14+$0xFFFFFFE0] =	vst v0  }
0x23: {  	[tilespmem:s15+$0x5000] =	vst v0  }
0x24: {  	[tilespmem:s14+$0x50] =	vst v0  }
0x25: {  	[tilespmem:s14+$0xB0] =	vst v0  }
0x26: {  	[tilespmem:s14+$0xA0] =	vst v0  }
0x27: {  	[tilespmem:s14+$0x90] =	vst v0  }
0x28: {  	[tilespmem:s14+$0x80] =	vst v0  }
0x29: {  	[tilespmem:s14+$0x60] =	vst v0  }
0x2a: {  	[tilespmem:s14+$0x70] =	vst v0;
	s14 =	smov.u32 s17  }
0x2b: {  	[tilespmem:s15+$0x5080] =	vst v0  }
0x2c: {  	[tilespmem:s17+$0xFFFFFF40] =	vst v0  }
0x2d: {  	[tilespmem:s17+$0xFFFFFFB0] =	vst v0  }
0x2e: {  	[tilespmem:s17+$0xFFFFFFA0] =	vst v0  }
0x2f: {  	[tilespmem:s17+$0xFFFFFF90] =	vst v0  }
0x30: {  	[tilespmem:s17+$0xFFFFFF80] =	vst v0  }
0x31: {  	[tilespmem:s17+$0xFFFFFF70] =	vst v0  }
0x32: {  	[tilespmem:s17+$0xFFFFFF60] =	vst v0  }
.Ltmp0:
0x33: {  	s15 =	sand.u32 $0x3FF0, s18;
	[tilespmem:s17+$0xFFFFFF50] =	vst v0;
	(pc) =	sbr.rel @p0 .LBB2_2-.Ltmp0, $4  }
0x34: {  	[tilespmem:s15+$0x4F80] =	vst v0  }
0x35: {  	[tilespmem:s17+$0x30] =	vst v0  }
0x36: {  	[tilespmem:s17+$0x20] =	vst v0  }
0x37: {  	[tilespmem:s17+$0x10] =	vst v0  }
0x38: {  	[tilespmem:s14+$0x0] =	vst v0  }
0x39: {  	[tilespmem:s14+$0xFFFFFFF0] =	vst v0  }
0x3a: {  	[tilespmem:s14+$0xFFFFFFD0] =	vst v0  }
0x3b: {  	[tilespmem:s14+$0xFFFFFFE0] =	vst v0  }
0x3c: {  	[tilespmem:s15+$0x5000] =	vst v0  }
0x3d: {  	[tilespmem:s14+$0x50] =	vst v0  }
0x3e: {  	[tilespmem:s14+$0xB0] =	vst v0  }
0x3f: {  	[tilespmem:s14+$0xA0] =	vst v0  }
0x40: {  	[tilespmem:s14+$0x90] =	vst v0  }
0x41: {  	[tilespmem:s14+$0x80] =	vst v0  }
0x42: {  	[tilespmem:s14+$0x60] =	vst v0  }
0x43: {  	[tilespmem:s14+$0x70] =	vst v0  }
0x44: {  	[tilespmem:s15+$0x5080] =	vst v0  }
0x45: {  	_ =	swait.ge [sflag:s8], $0x4F00  }
0x46: {  	[sflag:s8] =	ssyncset.done $0x0  }
0x47: {  	[sflag:s8] =	ssyncadd.s32 $0xFFFFB100  }
0x48: {  	v3 =	vld [tilespmem:s7+$0xFFFFFF90]  }
0x49: {  	v4 =	vld [tilespmem:s7+$0xFFFFFFA0]  }
0x4a: {  	v5 =	vld [tilespmem:s7+$0xFFFFFFB0]  }
0x4b: {  	v6 =	vld [tilespmem:s7+$0xFFFFFFC0]  }
0x4c: {  	v7 =	vld [tilespmem:s7+$0xFFFFFFD0]  }
0x4d: {  	v8 =	vld [tilespmem:s7+$0xFFFFFFE0]  }
0x4e: {  	v9 =	vld [tilespmem:s7+$0xFFFFFFF0]  }
0x4f: {  	v2 =	vld [tilespmem:s7+$0x0]  }
0x50: {  	[tilespmem:v3+s9+$0x0] =	vst.idx.add.f32.msk $0xffff, v1  }
0x51: {  	p0 =	sne.s32 s3, $0x1;
	[tilespmem:v4+s9+$0x0] =	vst.idx.add.f32.msk $0xffff, v1  }
.Ltmp1:
0x52: {  	[tilespmem:v5+s9+$0x0] =	vst.idx.add.f32.msk $0xffff, v1;
	(pc) =	sbr.rel @!p0 .LBB2_5-.Ltmp1, $4  }
0x53: {  	[tilespmem:v6+s9+$0x0] =	vst.idx.add.f32.msk $0xffff, v1  }
0x54: {  	[tilespmem:v7+s9+$0x0] =	vst.idx.add.f32.msk $0xffff, v1  }
0x55: {  	[tilespmem:v8+s9+$0x0] =	vst.idx.add.f32.msk $0xffff, v1  }
0x56: {  	s14 =	sadd.s32 $0xFFFFFFFF, s3;
	s15 =	smov.u32 s7;
	[tilespmem:v9+s9+$0x0] =	vst.idx.add.f32.msk $0xffff, v1  }
.LBB2_4:
0x57: {  	p0 =	sne.s32 s14, $0x1;
	s14 =	sadd.s32 $0xFFFFFFFF, s14;
	[tilespmem:v2+s9+$0x0] =	vst.idx.add.f32.msk $0xffff, v1;
	s15 =	sadd.s32 $0x100, s15  }
0x58: {  	v3 =	vld [tilespmem:s15+$0xFFFFFF90]  }
0x59: {  	v4 =	vld [tilespmem:s15+$0xFFFFFFA0]  }
0x5a: {  	v5 =	vld [tilespmem:s15+$0xFFFFFFB0]  }
0x5b: {  	v6 =	vld [tilespmem:s15+$0xFFFFFFC0]  }
0x5c: {  	v7 =	vld [tilespmem:s15+$0xFFFFFFD0]  }
0x5d: {  	v8 =	vld [tilespmem:s15+$0xFFFFFFE0]  }
0x5e: {  	v9 =	vld [tilespmem:s15+$0xFFFFFFF0]  }
0x5f: {  	v2 =	vld [tilespmem:s15+$0x0]  }
0x60: {  	[tilespmem:v3+s9+$0x0] =	vst.idx.add.f32.msk $0xffff, v1  }
0x61: {  	[tilespmem:v4+s9+$0x0] =	vst.idx.add.f32.msk $0xffff, v1  }
.Ltmp2:
0x62: {  	[tilespmem:v5+s9+$0x0] =	vst.idx.add.f32.msk $0xffff, v1;
	(pc) =	sbr.rel @p0 .LBB2_4-.Ltmp2, $4  }
0x63: {  	[tilespmem:v6+s9+$0x0] =	vst.idx.add.f32.msk $0xffff, v1  }
0x64: {  	[tilespmem:v7+s9+$0x0] =	vst.idx.add.f32.msk $0xffff, v1  }
0x65: {  	[tilespmem:v8+s9+$0x0] =	vst.idx.add.f32.msk $0xffff, v1  }
0x66: {  	[tilespmem:v9+s9+$0x0] =	vst.idx.add.f32.msk $0xffff, v1  }
.LBB2_5:
0x67: {  	_ =	sdelay $0x1  }
0x68: {  	s13 =	sadd.s32 $0x1, s13  }
0x69: {  	p0 =	sne.s32 s13, s6  }
.Ltmp3:
0x6a: {  	[tilespmem:v2+s9+$0x0] =	vst.idx.add.f32.msk $0xffff, v1;
	(pc) =	sbr.rel @p0 .LBB2_1-.Ltmp3, $4  }
0x6b: {  	[hbm4b:s5+s10] =	stream.strided.scatter [tilespmem:s9], [sflag:$0x2], $0x2780, s11, s10, $0x38;
	[tilespmem:$0x7680] =	vst v63  }
0x6c: {  	_ =	swait.ge [sflag:s12], $0x2780  }
0x6d: {  	[sflag:s12] =	ssyncset.done $0x0  }
0x6e: {  	[sflag:s12] =	ssyncadd.s32 $0xFFFFD880  }
0x6f: {  	_ =	sfence.sel $0x180000  }
0x70: {  	[bflag:$0x0] =	sbarrier.arrive $0xFFFF  }
0x71: {  	p0 =	sne.s32 s0, $0x0;
	_ =	strace $0x90000047  }
0x72: {  	s0 =	sadd.s32 @!p0 $0x100000, s1;
	[bflag:$0x2] =	sbarrier.arrive $0xFFFF  }
0x73: {  	[sflag:s0] =	ssyncadd.tile.s32 @!p0 $0x1;
	_ =	shalt  }
.Lfunc_end2:
_tile_overlayer_lowered:
.L_overlay_start_2:
0x74: {  	(tag) =	ssettag $0x2  }
0x75: {  	s0 =	rddreg [dreg:$0x0];
	s2 =	stileid.u32  }
0x76: {  	s1 =	rddreg [dreg:$0x1];
	p0 =	sne.s32 s2, $0x0  }
0x77: {  	s3 =	rddreg [dreg:$0x2];
	[bflag:$0x3] =	sbarrier.arrive $0xFFFF;
	s2 =	simm.s32 @!p0 $0x1C02  }
0x78: {  	[timem:s3], [sflag:s2] =	dma.local @!p0 [hbm:s0], s1  }
0x79: {  	s0 =	simm.s32 @!p0 $0x2  }
0x7a: {  	_ =	swait.ge @!p0 [sflag:s0], s1  }
0x7b: {  	s1 =	ssub.s32 @!p0 $0x0, s1;
	[sflag:s0] =	ssyncset.done @!p0 $0x0  }
0x7c: {  	[sflag:s0] =	ssyncadd.s32 @!p0 s1  }
0x7d: {  	[bflag:$0x3] =	sbarrier.arrive $0xFFFF  }
0x7e: {  	_ =	shalt  }

</sc_bundles>
